<compile_context>
chip_gen: v7x
topology: tpu7x:2x2x1
jax: 0.10.2.dev20260603
libtpu: 0.0.44.dev20260713+nightly
codegen_flags: <defaults>
</compile_context>

<pallas_src>
import jax
import jax.numpy as jnp
from jax import lax
from jax.experimental import pallas as pl

_TEMPERATURE = 0.2
_THR = 0.5


def _wta_kernel(x_ref, idx_ref, w_ref, gated_ref):
    x = x_ref[0]
    L2, K2 = x.shape
    K = K2 // 2
    row_iota = lax.broadcasted_iota(jnp.int32, (L2, K2), 0)
    tmin = jnp.min(jnp.where(x > _THR, row_iota, jnp.int32(L2)),
                   axis=0, keepdims=True)
    t_star = jnp.min(tmin)
    has_any = t_star < L2
    lane = lax.broadcasted_iota(jnp.int32, (1, K2), 1)
    k2_star = jnp.min(jnp.where(tmin == t_star, lane, jnp.int32(K2)))
    k_star = lax.rem(k2_star, K)

    def _fallback():
        total = jnp.sum(x, axis=0, keepdims=True)
        tot = total[:, :K] + total[:, K:]
        maxv = jnp.max(tot)
        ki = lax.broadcasted_iota(jnp.int32, (1, K), 1)
        return jnp.min(jnp.where(tot == maxv, ki, jnp.int32(K)))

    idx = lax.cond(has_any, lambda: k_star, _fallback)
    ki64 = lax.broadcasted_iota(jnp.int32, (1, K), 1)
    w_ref[0] = (ki64 == idx).astype(x.dtype)
    wide_mask = lax.bitwise_and(lane, jnp.int32(K - 1)) == idx
    gated_ref[0] = jnp.where(wide_mask, x, jnp.zeros_like(x))
    idx_ref[...] = jnp.broadcast_to(idx, (1, 1, 1))


@jax.jit
def kernel(spikes):
    B, L, K = spikes.shape
    L2, K2 = L // 2, K * 2
    sv = spikes.reshape(B, L2, K2)
    idx3, w3, gated = pl.pallas_call(
        _wta_kernel,
        grid=(B,),
        in_specs=[pl.BlockSpec((1, L2, K2), lambda b: (b, 0, 0))],
        out_specs=[
            pl.BlockSpec((1, 1, 1), lambda b: (b, 0, 0)),
            pl.BlockSpec((1, 1, K), lambda b: (b, 0, 0)),
            pl.BlockSpec((1, L2, K2), lambda b: (b, 0, 0)),
        ],
        out_shape=[
            jax.ShapeDtypeStruct((B, 1, 1), jnp.int32),
            jax.ShapeDtypeStruct((B, 1, K), spikes.dtype),
            jax.ShapeDtypeStruct((B, L2, K2), spikes.dtype),
        ],
    )(sv)
    return idx3.reshape(B), w3.reshape(B, K), gated.reshape(B, L, K)

# --- scband reference (transcript-rebuilt; emitter-appended) ---
"""Pipeline reference for scband-minimal-first-spike-wta-17059610100027 (READ-ONLY COPY).

The authoritative reference and input builder live on the scoring server;
editing this copy changes nothing except your own understanding.
"""

import jax, jax.numpy as jnp
import numpy as np

TEMPERATURE = 0.2
THR = 0.5


def setup_inputs(seed: int = 0) -> dict:
    key = jax.random.key(seed)
    spikes = jax.random.uniform(key, (64, 4096, 64), dtype=jnp.float32)
    return {"spikes": spikes}


def reference(spikes):
    B, L, K = spikes.shape
    dtype = spikes.dtype
    s = spikes > THR
    any_t = jnp.any(s, axis=2)
    has_any = jnp.any(any_t, axis=1)
    t_star = jnp.argmax(any_t.astype(jnp.float32), axis=1)
    s_at_t = s[jnp.arange(B), t_star, :]
    k_star = jnp.argmax(s_at_t.astype(jnp.float32), axis=1)
    total = spikes.sum(axis=1)
    k_fallback = jnp.argmax(total, axis=1)
    idx = jnp.where(has_any, k_star, k_fallback)
    w_hard = jax.nn.one_hot(idx, K, dtype=dtype)
    any_k = jnp.any(s, axis=1)
    c = jnp.cumsum(s.astype(jnp.int32), axis=1)
    first_mask = (c == 1) & s
    t_first = jnp.argmax(first_mask.astype(jnp.float32), axis=1)
    t_first = jnp.where(any_k, t_first, jnp.full_like(t_first, L))
    r = -t_first.astype(dtype)
    w_sur = jax.nn.softmax(r / TEMPERATURE, axis=-1)
    w = jax.lax.stop_gradient(w_hard) - jax.lax.stop_gradient(w_sur) + w_sur
    spikes_gated = spikes * w[:, None, :]
    return (idx, w, spikes_gated)

if __name__ == "__main__":
    import jax
    _d = setup_inputs()
    print(jax.jit(kernel)(*tuple(_d.values())))

</pallas_src>

<mosaic_0001>
module attributes {stable_mosaic.version = 14 : i64} {
  func.func @_wta_kernel(%arg0: i32, %arg1: memref<1x2048x128xf32, #tpu.memory_space<vmem>>, %arg2: memref<1x1x1xi32, #tpu.memory_space<vmem>>, %arg3: memref<1x1x64xf32, #tpu.memory_space<vmem>>, %arg4: memref<1x2048x128xf32, #tpu.memory_space<vmem>>) attributes {dimension_semantics = [#tpu.dimension_semantics<arbitrary>], iteration_bounds = array<i64: 64>, scalar_prefetch = 0 : i64, scratch_operands = 0 : i64, tpu.core_type = #tpu.core_type<tc>, window_params = [{transform_indices = @transform_0, window_bounds = array<i64: 1, 2048, 128>}, {transform_indices = @transform_1, window_bounds = array<i64: 1, 1, 1>}, {transform_indices = @transform_2, window_bounds = array<i64: 1, 1, 64>}, {transform_indices = @transform_3, window_bounds = array<i64: 1, 2048, 128>}]} {
    %get3A = arith.constant 0 : index
    %get3A_0 = arith.constant 0 : index
    %get3A_1 = arith.constant 0 : index
    %get3A_2 = vector.load %arg1[%get3A, %get3A_0, %get3A_1] : memref<1x2048x128xf32, #tpu.memory_space<vmem>>, vector<1x2048x128xf32>
    %get3A_3 = vector.shape_cast %get3A_2 : vector<1x2048x128xf32> to vector<2048x128xf32>
    %iota3A = tpu.iota {dimensions = array<i32: 0>} : vector<2048x128xi32>
    %gt3A = arith.constant 5.000000e-01 : f32
    %gt3A_4 = vector.broadcast %gt3A : f32 to vector<2048x128xf32>
    %gt3A_5 = arith.cmpf ogt, %get3A_3, %gt3A_4 : vector<2048x128xf32>
    %jit3A = arith.constant 2048 : i32
    %broadcast_in_dim3A = vector.broadcast %jit3A : i32 to vector<2048x128xi32>
    %select_n3A = arith.select %gt3A_5, %iota3A, %broadcast_in_dim3A : vector<2048x128xi1>, vector<2048x128xi32>
    %reduce_min3A = arith.constant dense<2147483647> : vector<128xi32>
    %reduce_min3A_6 = vector.multi_reduction <minsi>, %select_n3A, %reduce_min3A [0] : vector<2048x128xi32> to vector<128xi32>
    %broadcast_in_dim3A_7 = vector.shape_cast %reduce_min3A_6 : vector<128xi32> to vector<1x128xi32>
    %reduce_min3A_8 = vector.shape_cast %broadcast_in_dim3A_7 : vector<1x128xi32> to vector<1x1x128xi32>
    %reduce_min3A_9 = arith.constant dense<2147483647> : vector<1xi32>
    %reduce_min3A_10 = vector.multi_reduction <minsi>, %reduce_min3A_8, %reduce_min3A_9 [1, 2] : vector<1x1x128xi32> to vector<1xi32>
    %reduce_min3A_11 = vector.shape_cast %reduce_min3A_10 : vector<1xi32> to vector<1x1x1xi32>
    %reduce_min3A_12 = vector.extract %reduce_min3A_11[0, 0, 0] : i32 from vector<1x1x1xi32>
    %lt3A = arith.constant 2048 : i32
    %lt3A_13 = arith.cmpi slt, %reduce_min3A_12, %lt3A : i32
    %iota3A_14 = tpu.iota {dimensions = array<i32: 1>} : vector<1x128xi32>
    %eq3A = vector.broadcast %reduce_min3A_12 : i32 to vector<1x128xi32>
    %eq3A_15 = arith.cmpi eq, %broadcast_in_dim3A_7, %eq3A : vector<1x128xi32>
    %jit3A_16 = arith.constant 128 : i32
    %broadcast_in_dim3A_17 = vector.broadcast %jit3A_16 : i32 to vector<1x128xi32>
    %select_n3A_18 = arith.select %eq3A_15, %iota3A_14, %broadcast_in_dim3A_17 : vector<1x128xi1>, vector<1x128xi32>
    %reduce_min3A_19 = vector.shape_cast %select_n3A_18 : vector<1x128xi32> to vector<1x1x128xi32>
    %reduce_min3A_20 = arith.constant dense<2147483647> : vector<1xi32>
    %reduce_min3A_21 = vector.multi_reduction <minsi>, %reduce_min3A_19, %reduce_min3A_20 [1, 2] : vector<1x1x128xi32> to vector<1xi32>
    %reduce_min3A_22 = vector.shape_cast %reduce_min3A_21 : vector<1xi32> to vector<1x1x1xi32>
    %reduce_min3A_23 = vector.extract %reduce_min3A_22[0, 0, 0] : i32 from vector<1x1x1xi32>
    %rem3A = arith.constant 64 : i32
    %rem3A_24 = arith.remsi %reduce_min3A_23, %rem3A : i32
    %convert_element_type3A = arith.extui %lt3A_13 : i1 to i32
    %cond3A = arith.constant 0 : i32
    %cond3A_25 = arith.cmpi ne, %convert_element_type3A, %cond3A : i32
    %cond3A_26 = scf.if %cond3A_25 -> (i32) {
      scf.yield %rem3A_24 : i32
    } else {
      %reduce_sum3A = arith.constant dense<0.000000e+00> : vector<128xf32>
      %reduce_sum3A_57 = vector.multi_reduction <add>, %get3A_3, %reduce_sum3A [0] : vector<2048x128xf32> to vector<128xf32>
      %broadcast_in_dim3A_58 = vector.shape_cast %reduce_sum3A_57 : vector<128xf32> to vector<1x128xf32>
      %slice3A = vector.extract_strided_slice %broadcast_in_dim3A_58 {offsets = [0, 0], sizes = [1, 64], strides = [1, 1]} : vector<1x128xf32> to vector<1x64xf32>
      %slice3A_59 = vector.extract_strided_slice %broadcast_in_dim3A_58 {offsets = [0, 64], sizes = [1, 64], strides = [1, 1]} : vector<1x128xf32> to vector<1x64xf32>
      %add3A = arith.addf %slice3A, %slice3A_59 : vector<1x64xf32>
      %reduce_max3A = vector.shape_cast %add3A : vector<1x64xf32> to vector<1x1x64xf32>
      %reduce_max3A_60 = arith.constant dense<0xFF800000> : vector<1xf32>
      %reduce_max3A_61 = vector.multi_reduction <maximumf>, %reduce_max3A, %reduce_max3A_60 [1, 2] : vector<1x1x64xf32> to vector<1xf32>
      %reduce_max3A_62 = vector.shape_cast %reduce_max3A_61 : vector<1xf32> to vector<1x1x1xf32>
      %reduce_max3A_63 = vector.extract %reduce_max3A_62[0, 0, 0] : f32 from vector<1x1x1xf32>
      %iota3A_64 = tpu.iota {dimensions = array<i32: 1>} : vector<1x64xi32>
      %eq3A_65 = vector.broadcast %reduce_max3A_63 : f32 to vector<1x64xf32>
      %eq3A_66 = arith.cmpf oeq, %add3A, %eq3A_65 : vector<1x64xf32>
      %jit3A_67 = arith.constant 64 : i32
      %broadcast_in_dim3A_68 = vector.broadcast %jit3A_67 : i32 to vector<1x64xi32>
      %select_n3A_69 = arith.select %eq3A_66, %iota3A_64, %broadcast_in_dim3A_68 : vector<1x64xi1>, vector<1x64xi32>
      %reduce_min3A_70 = vector.shape_cast %select_n3A_69 : vector<1x64xi32> to vector<1x1x64xi32>
      %reduce_min3A_71 = arith.constant dense<2147483647> : vector<1xi32>
      %reduce_min3A_72 = vector.multi_reduction <minsi>, %reduce_min3A_70, %reduce_min3A_71 [1, 2] : vector<1x1x64xi32> to vector<1xi32>
      %reduce_min3A_73 = vector.shape_cast %reduce_min3A_72 : vector<1xi32> to vector<1x1x1xi32>
      %reduce_min3A_74 = vector.extract %reduce_min3A_73[0, 0, 0] : i32 from vector<1x1x1xi32>
      scf.yield %reduce_min3A_74 : i32
    }
    %iota3A_27 = tpu.iota {dimensions = array<i32: 1>} : vector<1x64xi32>
    %eq3A_28 = vector.broadcast %cond3A_26 : i32 to vector<1x64xi32>
    %eq3A_29 = arith.cmpi eq, %iota3A_27, %eq3A_28 : vector<1x64xi32>
    %convert_element_type3A_30 = arith.extui %eq3A_29 : vector<1x64xi1> to vector<1x64xi32>
    %convert_element_type3A_31 = arith.sitofp %convert_element_type3A_30 : vector<1x64xi32> to vector<1x64xf32>
    %swap3A = arith.constant 0 : index
    %swap3A_32 = arith.constant 0 : index
    %swap3A_33 = arith.constant 0 : index
    %swap3A_34 = vector.load %arg3[%swap3A, %swap3A_32, %swap3A_33] : memref<1x1x64xf32, #tpu.memory_space<vmem>>, vector<1x1x64xf32>
    %swap3A_35 = vector.shape_cast %swap3A_34 : vector<1x1x64xf32> to vector<1x64xf32>
    %swap3A_36 = vector.shape_cast %convert_element_type3A_31 : vector<1x64xf32> to vector<1x1x64xf32>
    tpu.vector_store %arg3[%swap3A, %swap3A_32, %swap3A_33], %swap3A_36 {strides = array<i32>} : memref<1x1x64xf32, #tpu.memory_space<vmem>>, vector<1x1x64xf32>,
    %and3A = arith.constant 63 : i32
    %and3A_37 = vector.broadcast %and3A : i32 to vector<1x128xi32>
    %and3A_38 = arith.andi %iota3A_14, %and3A_37 : vector<1x128xi32>
    %eq3A_39 = vector.broadcast %cond3A_26 : i32 to vector<1x128xi32>
    %eq3A_40 = arith.cmpi eq, %and3A_38, %eq3A_39 : vector<1x128xi32>
    %broadcast_in_dim3A_41 = arith.constant 0.000000e+00 : f32
    %broadcast_in_dim3A_42 = vector.broadcast %broadcast_in_dim3A_41 : f32 to vector<2048x128xf32>
    %broadcast_in_dim3A_43 = vector.shape_cast %eq3A_40 : vector<1x128xi1> to vector<1x128xi1>
    %broadcast_in_dim3A_44 = vector.broadcast %broadcast_in_dim3A_43 : vector<1x128xi1> to vector<2048x128xi1>
    %select_n3A_45 = arith.select %broadcast_in_dim3A_44, %get3A_3, %broadcast_in_dim3A_42 : vector<2048x128xi1>, vector<2048x128xf32>
    %swap3A_46 = arith.constant 0 : index
    %swap3A_47 = arith.constant 0 : index
    %swap3A_48 = arith.constant 0 : index
    %swap3A_49 = vector.load %arg4[%swap3A_46, %swap3A_47, %swap3A_48] : memref<1x2048x128xf32, #tpu.memory_space<vmem>>, vector<1x2048x128xf32>
    %swap3A_50 = vector.shape_cast %swap3A_49 : vector<1x2048x128xf32> to vector<2048x128xf32>
    %swap3A_51 = vector.shape_cast %select_n3A_45 : vector<2048x128xf32> to vector<1x2048x128xf32>
    tpu.vector_store %arg4[%swap3A_46, %swap3A_47, %swap3A_48], %swap3A_51 {strides = array<i32>} : memref<1x2048x128xf32, #tpu.memory_space<vmem>>, vector<1x2048x128xf32>,
    %broadcast_in_dim3A_52 = vector.broadcast %cond3A_26 : i32 to vector<1x1x1xi32>
    %swap3A_53 = arith.constant 0 : index
    %swap3A_54 = arith.constant 0 : index
    %swap3A_55 = arith.constant 0 : index
    %swap3A_56 = vector.load %arg2[%swap3A_53, %swap3A_54, %swap3A_55] : memref<1x1x1xi32, #tpu.memory_space<vmem>>, vector<1x1x1xi32>
    tpu.vector_store %arg2[%swap3A_53, %swap3A_54, %swap3A_55], %broadcast_in_dim3A_52 {strides = array<i32>} : memref<1x1x1xi32, #tpu.memory_space<vmem>>, vector<1x1x1xi32>,
    return
  }
  func.func @transform_0(%arg0: i32) -> (i32, i32, i32) {
    %c0_i32 = arith.constant 0 : i32
    %c0_i32_0 = arith.constant 0 : i32
    %c0_i32_1 = arith.constant 0 : i32
    return %arg0, %c0_i32, %c0_i32_0 : i32, i32, i32
  }
  func.func @transform_1(%arg0: i32) -> (i32, i32, i32) {
    %c0_i32 = arith.constant 0 : i32
    %c0_i32_0 = arith.constant 0 : i32
    %c0_i32_1 = arith.constant 0 : i32
    return %arg0, %c0_i32, %c0_i32_0 : i32, i32, i32
  }
  func.func @transform_2(%arg0: i32) -> (i32, i32, i32) {
    %c0_i32 = arith.constant 0 : i32
    %c0_i32_0 = arith.constant 0 : i32
    %c0_i32_1 = arith.constant 0 : i32
    return %arg0, %c0_i32, %c0_i32_0 : i32, i32, i32
  }
  func.func @transform_3(%arg0: i32) -> (i32, i32, i32) {
    %c0_i32 = arith.constant 0 : i32
    %c0_i32_0 = arith.constant 0 : i32
    %c0_i32_1 = arith.constant 0 : i32
    return %arg0, %c0_i32, %c0_i32_0 : i32, i32, i32
  }
}

</mosaic_0001>

<sc_bundles>
// kernel: sparse-core-data-format-call.cloned.1.call-start
scs
called_computation_lowered:
.L_overlay_start_0:
0x0: {  	s2 =	sld [smem:$0x3FD9]  }
0x1: {  	s3 =	sld [smem:$0x3FFE];
	_ =	sdelay $0x1  }
0x2: {  	s1 =	srdreg.scid  }
0x3: {  	s0 =	sand.u32 $0x1, s1  }
0x4: {  	s15 =	sshll.u32 s0, $0xA;
	s2 =	sadd.s32 s3, s2  }
0x5: {  	s2 =	sadd.s32 s2, s15  }
0x6: {  	[smem:$0x3FC7] =	sst s2  }
0x7: {  	_ = 	snop  }
0x8: {  	s2 =	sld [smem:$0x3FD0];
	_ =	sdelay $0x2  }
0x9: {  	s16 =	simm.s32 $0xA;
	s4 =	simm.s32 $0x10  }
0xa: {  	[smem:s4], [sflag:s16] =	dma.local [hbm:s2], $0x1  }
0xb: {  	_ =	swait.eq [sflag:s16], $0x1  }
0xc: {  	[sflag:s16] =	ssyncset.done $0x0  }
0xd: {  	[sflag:s16] =	ssyncadd.s32 $0xFFFFFFFF  }
0xe: {  	s17 =	sld [smem:$0x12];
	(tm) =	ssettm $0x1  }
0xf: {  	s18 =	sld [smem:$0x3FFB];
	_ =	sdelay $0x3  }
0x10: {  	_ =	strace s18  }
0x11: {  	s3 =	sld [smem:$0x3FFC];
	_ =	sdelay $0x3  }
0x12: {  	_ =	strace s3  }
0x13: {  	s3 =	sld [smem:$0x3FFD];
	_ =	sdelay $0x3  }
0x14: {  	_ =	strace s3  }
0x15: {  	_ =	strace $0x8FFFFFFF  }
0x16: {  	s19 =	sld [smem:$0x3FDB];
	_ =	sdelay $0x1  }
0x17: {  	s20 =	simm.s32 $_scs_section_size  }
0x18: {  	s5 =	simm.s32 $_size__tile_overlayer_lowered;
	s6 =	simm.s32 $_tile_overlayer_lowered  }
0x19: {  	s23 =	simm.s32 $0x1BFF;
	s22 =	sshll.u32 s6, $0x1;
	s3 =	sadd.s32 s20, s19  }
0x1a: {  	s7 =	simm.s32 $0x0;
	s21 =	sshll.u32 s5, $0x1;
	s5 =	sadd.s32 s22, s3  }
0x1b: {  	[timem:s7], [sflag:s23] =	dma.local [hbm:s5], s21  }
0x1c: {  	_ =	swait.ge [sflag:s23], s21  }
0x1d: {  	s4 =	ssub.s32 $0x0, s21;
	[sflag:s23] =	ssyncset.done $0x0  }
0x1e: {  	[sflag:s23] =	ssyncadd.s32 s4;
	_ =	sdelay $0x1  }
0x1f: {  	s24 =	simm.s32 $0x1B8B  }
0x20: {  	_ =	swait.ge [sflag:s24], $0x1  }
0x21: {  	[sflag:s24] =	ssyncset.done $0x0  }
0x22: {  	s26 =	simm.s32 $0x1B8E;
	s25 =	sld [smem:$0x3FFE];
	[sflag:s24] =	ssyncadd.s32 $0xFFFFFFFF  }
0x23: {  	s27 =	simm.s32 $execute0_lowered;
	[smem:$0x3FD2] =	sst s26  }
0x24: {  	s5 =	sshll.u32 s27, $0x1;
	_ =	strace $0x80000046;
	[dreg:$0x1] =	wrdreg $0xFFFFFFFF  }
0x25: {  	s28 =	simm.s32 $_size_execute0_lowered;
	s3 =	sadd.s32 s3, s5;
	[dreg:$0x0] =	wrdreg $0x0  }
0x26: {  	s5 =	sshll.u32 s28, $0x1;
	[dreg:$0x2] =	wrdreg s3  }
0x27: {  	[dreg:$0x3] =	wrdreg s5  }
0x28: {  	[dreg:$0x4] =	wrdreg $0xC0  }
0x29: {  	_ =	task [dreg:s7], $0x5FFFF  }
0x2a: {  	[dreg:$0x1] =	wrdreg $0xFFFFFFFF  }
0x2b: {  	[dreg:$0x0] =	wrdreg $0x60  }
0x2c: {  	[dreg:$0x2] =	wrdreg s25  }
0x2d: {  	[dreg:$0x3] =	wrdreg s17  }
0x2e: {  	[dreg:$0x4] =	wrdreg $0x9  }
0x2f: {  	_ =	task.clear_ibuf [dreg:s7], $0x5FFFF;
	_ =	strace $0x90000046  }
0x30: {  	s29 =	simm.s32 $0x9;
	_ =	strace $0x80000048  }
0x31: {  	_ =	swait.ge [sflag:s29], $0x1  }
0x32: {  	[sflag:s29] =	ssyncadd.s32 $0xFFFFFFFF  }
0x33: {  	_ =	strace $0x90000048  }
0x34: {  	_ =	sfence  }
0x35: {  	s30 =	sld [smem:$0x0];
	_ =	sdelay $0x2  }
0x36: {  	s31 =	sshll.u32 s1, $0xD;
	s1 =	sshrl.u32 s1, $0x2  }
0x37: {  	s3 =	sand.u32 $0x4000, s31;
	s1 =	sadd.s32 s1, s30  }
0x38: {  	s0 =	sor.u32 s3, s0;
	s1 =	sshll.u32 s1, $0x11  }
0x39: {  	s0 =	sor.u32 s1, s0  }
0x3a: {  	s0 =	sadd.s32 $0x8F2B, s0  }
0x3b: {  	[sflag:s0] =	ssyncadd.remote.s32 $0x1  }
0x3c: {  	_ =	sfence.sel $0xFFFF  }
0x3d: {  	[dreg:$0x0] =	wrdreg $0xFFFFFFFF;
	(pc) =	sbr.abs _section_cstart, $3  }
0x3e: {  	[dreg:$0x1] =	wrdreg $0xFFFFFFFF  }
0x3f: {  	_ =	task.clear_ibuf [dreg:s7], $0x2FFFF;
	_ =	strace $0x9FFFFFFF  }
0x40: {  	(tm) =	ssettm $0x7FFFFFFF  }
0x41: {  	_ =	shalt  }
tec
execute0_lowered:
.L_overlay_start_1:
0x0: {  	(tag) =	ssettag $0x1  }
0x1: {  	s0 =	srdreg.scid  }
0x2: {  	s7 =	rddreg [dreg:$0x0];
	s1 =	sshll.u32 s0, $0x4  }
0x3: {  	s3 =	rddreg [dreg:$0x1];
	s0 =	stileid.u32;
	s1 =	sand.u32 $0x10, s1  }
0x4: {  	s6 =	simm.s32 $0x1;
	s31 =	simm.s32 $0x2;
	s1 =	sor.u32 s0, s1  }
0x5: {  	s13 =	simm.s32 $0x0;
	s9 =	simm.s32 $0x8000;
	s2 =	sshll.u32 s1, $0x1  }
0x6: {  	s14 =	simm.s32 $0x0;
	s10 =	simm.s32 $0x0;
	s4 =	ssub.s32 $0x40, s2  }
0x7: {  	s12 =	simm.s32 $0x0;
	s1 =	rddreg [dreg:$0x2];
	s5 =	sand.u32 $0x3E, s4  }
.Ltmp0:
0x8: {  	_ =	strace $0x80000047;
	p0 =	sne.s32 s5, $0x0;
	(pc) =	sbr.rel .LBB1_1-.Ltmp0, $4  }
0x9: {  	s11 =	smov.u32 s2;
	s8 =	sshrl.u32 s4, $0x6;
	s6 =	simm.s32 @!p0 $0x0  }
0xa: {  	s4 =	sadd.s32 $0x200A00, s7;
	s5 =	simm.s32 $0x1;
	s6 =	sadd.s32 s6, s8  }
0xb: {  	s7 =	sadd.s32 $0x210A00, s7;
	[sflag:s5] =	ssyncpa.u1 $0x0;
	s6 =	sshll.u32 s6, $0x5  }
0xc: {  	p0 =	por $0x0, $0x0;
	[sflag:s31] =	ssyncpa.u1 $0x0;
	s8 =	sor.u32 $0x1, s6  }
.LBB1_7:
0xd: {  	s15 =	sadd.s32 $0x80, s10  }
0xe: {  	s13 =	sadd.s32 $0x40, s11;
	s17 =	smov.u32 s11;
	p2 =	sgt.s32 s15, $0xFFF  }
0xf: {  	s17 =	smov.u32 @p2 s13  }
0x10: {  	s15 =	simm.s32 @p2 $0x0;
	p2 =	sgt.s32 s17, $0x3F  }
0x11: {  	s17 =	smov.u32 @p2 s2;
	p2 =	sne.s32 s12, s8  }
.Ltmp1:
0x12: {  	p1 =	slt.u32 s12, $0x2;
	(pc) =	sbr.rel @!p2 .LBB1_8-.Ltmp1, $4  }
0x13: {  	s16 =	simm.s32 @!p1 $0x2  }
0x14: {  	s14 =	smov.u32 s11;
	p0 =	por !p0, !p0;
	_ =	swait.ge @!p1 [sflag:s16], $0x4000  }
0x15: {  	s13 =	smov.u32 s10;
	[sflag:s16] =	ssyncset.done @!p1 $0x0;
	s10 =	smov.u32 s15  }
0x16: {  	s12 =	sadd.s32 $0x1, s12;
	[sflag:s16] =	ssyncadd.s32 @!p1 $0xFFFFC000;
	s11 =	smov.u32 s17  }
.LBB1_1:
0x17: {  	p1 =	sge.u32 s12, s6  }
0x18: {  	s15 =	sxor.u32 @!p1 $0xFFFFFFFF, s12;
	s16 =	sshll.u32 @!p1 s11, $0x10  }
0x19: {  	s17 =	sshll.u32 @!p1 s10, $0x4;
	s19 =	simm.s32 @!p1 $0x40;
	s20 =	simm.s32 @!p1 $0x80  }
0x1a: {  	s15 =	sshll.u32 @!p1 s15, $0xE;
	s17 =	sand.u32 @!p1 $0xFFF0, s17;
	s18 =	sadd.s32 @!p1 s4, s16  }
0x1b: {  	s16 =	sadd.s32 @!p1 s16, s7;
	s15 =	sand.u32 @!p1 $0x4000, s15;
	s18 =	sadd.s32 @!p1 s17, s18  }
0x1c: {  	[tilespmem:s15], [sflag:$0x1] =	stream.strided.gather @!p1 [hbm4b:s18+s19], $0x2000, s20, s19, $0x38;
	[tilespmem:$0x10100] =	vst v63  }
0x1d: {  	s31 =	sadd.s32 $0xFFFFFFFF, s12;
	s16 =	sadd.s32 @!p1 s17, s16;
	s15 =	sor.u32 @!p1 $0x2000, s15  }
0x1e: {  	[tilespmem:s15], [sflag:$0x1] =	stream.strided.gather @!p1 [hbm4b:s16+s19], $0x2000, s20, s19, $0x38;
	[tilespmem:$0x10100] =	vst v63  }
0x1f: {  	p1 =	sge.u32 s31, s6  }
.Ltmp2:
0x20: {  	_ = 	snop;
	(pc) =	sbr.rel @p1 .LBB1_7-.Ltmp2, $1  }
0x21: {  	_ =	sdelay $0x3  }
0x22: {  	s15 =	simm.s32 $0x1;
	s17 =	sand.u32 $0x1, s12  }
0x23: {  	_ =	swait.ge [sflag:s5], $0x4000;
	s15 =	simm.s32 @!p0 $0x0;
	s17 =	smul.u32 $0x10200, s17  }
0x24: {  	p2 =	por $0x1, $0x1;
	[sflag:s5] =	ssyncset.done $0x0;
	s16 =	smul.u32 $0x10200, s15  }
0x25: {  	s18 =	sshll.u32 s15, $0x10;
	[sflag:s5] =	ssyncadd.s32 $0xFFFFC000;
	s30 =	sshrl.u32 s17, $0x2  }
0x26: {  	s31 =	sshrl.u32 s18, $0x2;
	s18 =	simm.s32 $0x0;
	s16 =	sshrl.u32 s16, $0x2  }
0x27: {  	s15 =	sor.u32 $0x8000, s30;
	s17 =	sadd.s32 $0x20, s31;
	s16 =	sor.u32 $0x8000, s16  }
.LBB1_3:
0x28: {  	s19 =	sshll.u32 s18, $0xD  }
0x29: {  	s19 =	sand.u32 $0x3FFFE000, s19  }
0x2a: {  	s21 =	sadd.s32 s19, s17  }
0x2b: {  	s31 =	smul.u32 $0x8100, s18;
	v3 =	vld [tilespmem:s21+$0x10]  }
0x2c: {  	v1 =	vld [tilespmem:s21+$0xFFFFFFF0]  }
0x2d: {  	s18 =	sshra.s32 s31, $0x2;
	v0 =	vld [tilespmem:s21+$0x0]  }
0x2e: {  	s18 =	sadd.s32 s18, s16;
	v2 =	vld [tilespmem:s21+$0xFFFFFFE0]  }
0x2f: {  	s19 =	sadd.s32 $0x0, s18  }
0x30: {  	p1 =	por p2, p2;
	s20 =	simm.s32 $0x4;
	s21 =	sadd.s32 $0x40, s21;
	[tilespmem:s19+$0x1830 ss:$0x81] =	vst.msk $0xffff, v3  }
.LBB1_4:
0x31: {  	v3 =	vld [tilespmem:s21+$0x10];
	p2 =	sne.s32 s20, $0x1FC;
	[tilespmem:s19+$0x810 ss:$0x81] =	vst.msk $0xffff, v1;
	s22 =	smov.u32 s20;
	s20 =	sadd.s32 $0x4, s20  }
.Ltmp3:
0x32: {  	v1 =	vld [tilespmem:s21+$0xFFFFFFF0];
	[tilespmem:s19+$0x1020 ss:$0x81] =	vst.msk $0xffff, v0;
	(pc) =	sbr.rel @p2 .LBB1_4-.Ltmp3, $4  }
0x33: {  	v0 =	vld [tilespmem:s21+$0x0];
	[tilespmem:s19+$0x0 ss:$0x81] =	vst.msk $0xffff, v2  }
0x34: {  	s19 =	sshra.s32 s22, $0x2;
	v2 =	vld [tilespmem:s21+$0xFFFFFFE0]  }
0x35: {  	s19 =	sadd.s32 s19, s18  }
0x36: {  	s21 =	sadd.s32 $0x40, s21;
	[tilespmem:s19+$0x1830 ss:$0x81] =	vst.msk $0xffff, v3  }
.Ltmp4:
0x37: {  	(pc) =	sbr.rel @p1 .LBB1_3-.Ltmp4, $4  }
0x38: {  	_ = 	snop  }
0x39: {  	[tilespmem:s19+$0x810 ss:$0x81] =	vst.msk $0xffff, v1  }
0x3a: {  	[tilespmem:s19+$0x1020 ss:$0x81] =	vst.msk $0xffff, v0  }
0x3b: {  	s18 =	simm.s32 $0x1;
	p2 =	por $0x0, $0x0;
	[tilespmem:s19+$0x0 ss:$0x81] =	vst.msk $0xffff, v2  }
0x3c: {  	s16 =	sshll.u32 s13, $0x3;
	s17 =	sand.u32 $0x78, s13;
	s14 =	sshll.u32 s14, $0xF  }
.Ltmp5:
0x3d: {  	s30 =	sand.u32 $0x7E00, s13;
	s16 =	sand.u32 $0xC00, s16;
	(pc) =	sbr.rel .LBB1_7-.Ltmp5, $4  }
0x3e: {  	s31 =	sand.u32 $0x7, s13;
	s14 =	sadd.s32 s3, s14;
	s16 =	sor.u32 s17, s16  }
0x3f: {  	s13 =	sshll.u32 s31, $0x12;
	s14 =	sadd.s32 s30, s14;
	s16 =	sshrl.u32 s16, $0x3  }
0x40: {  	s13 =	sor.u32 $0x400, s13;
	s14 =	sadd.s32 s16, s14  }
0x41: {  	[hbm4b:s14+s13] =	stream.strided.scatter [tilespmem:s15], [sflag:$0x2], $0x4000, s9, s13, $0x20;
	[tilespmem:$0x10100] =	vst v63  }
.LBB1_8:
0x42: {  	_ =	sfence.sel $0x180000  }
0x43: {  	s2 =	simm.s32 $0x1;
	[bflag:$0x0] =	sbarrier.arrive $0xFFFF  }
0x44: {  	s31 =	simm.s32 $0x2;
	[sflag:s2] =	ssyncpa.u1 $0x1  }
0x45: {  	[sflag:s31] =	ssyncpa.u1 $0x1  }
0x46: {  	p0 =	sne.s32 s0, $0x0;
	_ =	strace $0x90000047  }
0x47: {  	s0 =	sadd.s32 @!p0 $0x100000, s1;
	[bflag:$0x2] =	sbarrier.arrive $0xFFFF  }
0x48: {  	[sflag:s0] =	ssyncadd.tile.s32 @!p0 $0x1;
	_ =	shalt  }
.Lfunc_end1:
_tile_overlayer_lowered:
.L_overlay_start_2:
0x49: {  	(tag) =	ssettag $0x2  }
0x4a: {  	s0 =	rddreg [dreg:$0x0];
	s2 =	stileid.u32  }
0x4b: {  	s1 =	rddreg [dreg:$0x1];
	p0 =	sne.s32 s2, $0x0  }
0x4c: {  	s3 =	rddreg [dreg:$0x2];
	[bflag:$0x3] =	sbarrier.arrive $0xFFFF;
	s2 =	simm.s32 @!p0 $0x1C01  }
0x4d: {  	[timem:s3], [sflag:s2] =	dma.local @!p0 [hbm:s0], s1  }
0x4e: {  	s0 =	simm.s32 @!p0 $0x1  }
0x4f: {  	_ =	swait.ge @!p0 [sflag:s0], s1  }
0x50: {  	s1 =	ssub.s32 @!p0 $0x0, s1;
	[sflag:s0] =	ssyncset.done @!p0 $0x0  }
0x51: {  	[sflag:s0] =	ssyncadd.s32 @!p0 s1  }
0x52: {  	[bflag:$0x3] =	sbarrier.arrive $0xFFFF  }
0x53: {  	_ =	shalt  }

</sc_bundles>
